<compile_context>
chip_gen: v7x
topology: tpu7x:2x2x1
jax: 0.10.2.dev20260603
libtpu: 0.0.44.dev20260713+nightly
codegen_flags: <defaults>
</compile_context>

<pallas_src>
import functools

import jax
import jax.numpy as jnp
from jax import lax
from jax.experimental import pallas as pl
from jax.experimental.pallas import tpu as pltpu
from jax.experimental.pallas import tpu_sc as plsc

F_DIM = 26
E_DIM = 16
NC = 2
NS = 16
NW = NC * NS
CHUNK = 128

_SC_MESH = plsc.VectorSubcoreMesh(core_axis_name="c", subcore_axis_name="s")


def _sc_gather(idx_r, table, lin_w):
    C = idx_r.shape[1]
    n_per_w = C * CHUNK

    @functools.partial(
        pl.kernel,
        out_type=[
            jax.ShapeDtypeStruct((NW, n_per_w, E_DIM), jnp.float32),
            jax.ShapeDtypeStruct((NW, n_per_w), jnp.float32),
        ],
        mesh=_SC_MESH,
        scratch_types=[
            pltpu.VMEM((C, CHUNK), jnp.int32),
            pltpu.VMEM((n_per_w, E_DIM), jnp.float32),
            pltpu.VMEM((n_per_w,), jnp.float32),
            pltpu.SemaphoreType.DMA,
            pltpu.SemaphoreType.DMA,
        ],
        compiler_params=pltpu.CompilerParams(use_tc_tiling_on_sc=False),
    )
    def sc_kernel(idx_hbm, table_hbm, lin_hbm, emb_out, lin_out,
                  idx_v, rows_v, linr_v, sem_e, sem_l):
        wid = lax.axis_index("s") * NC + lax.axis_index("c")
        pltpu.sync_copy(idx_hbm.at[wid], idx_v)

        def fire(ci, _):
            pltpu.async_copy(
                table_hbm.at[idx_v.at[ci]],
                rows_v.at[pl.ds(ci * CHUNK, CHUNK)], sem_e)
            pltpu.async_copy(
                lin_hbm.at[idx_v.at[ci]],
                linr_v.at[pl.ds(ci * CHUNK, CHUNK)], sem_l)
            return 0

        lax.fori_loop(0, C, fire, 0)

        def drain(ci, _):
            pltpu.make_async_copy(
                table_hbm.at[idx_v.at[ci]],
                rows_v.at[pl.ds(ci * CHUNK, CHUNK)], sem_e).wait()
            pltpu.make_async_copy(
                lin_hbm.at[idx_v.at[ci]],
                linr_v.at[pl.ds(ci * CHUNK, CHUNK)], sem_l).wait()
            return 0

        lax.fori_loop(0, C, drain, 0)
        pltpu.sync_copy(rows_v, emb_out.at[wid])
        pltpu.sync_copy(linr_v, lin_out.at[wid])

    return sc_kernel(idx_r, table, lin_w)


def _tc_body(emb_ref, vals_ref, ling_ref, W1_ref, b1_ref, W2_ref, b2_ref,
             Wp_ref, bp_ref, lb_ref, out_ref):
    emb = emb_ref[...]
    vals = vals_ref[...]
    ling = ling_ref[...]

    fe = F_DIM * E_DIM
    jf = lax.broadcasted_iota(jnp.int32, (F_DIM, fe), 1) // E_DIM
    ff = lax.broadcasted_iota(jnp.int32, (F_DIM, fe), 0)
    expand = (jf == ff).astype(jnp.float32)
    w = emb * jnp.dot(vals, expand, preferred_element_type=jnp.float32)

    linear = jnp.sum(ling * vals, axis=1, keepdims=True) + lb_ref[0, 0]

    jj = lax.broadcasted_iota(jnp.int32, (fe, E_DIM), 0)
    dd = lax.broadcasted_iota(jnp.int32, (fe, E_DIM), 1)
    fold = (jj % E_DIM == dd).astype(jnp.float32)
    s = jnp.dot(w, fold, preferred_element_type=jnp.float32)
    fm = 0.5 * (jnp.sum(s * s, axis=1, keepdims=True)
                - jnp.sum(w * w, axis=1, keepdims=True))

    h = jnp.maximum(
        jnp.dot(w, W1_ref[...], preferred_element_type=jnp.float32)
        + b1_ref[...], 0.0)
    h = jnp.maximum(
        jnp.dot(h, W2_ref[...], preferred_element_type=jnp.float32)
        + b2_ref[...], 0.0)
    deep = jnp.dot(h, Wp_ref[...], preferred_element_type=jnp.float32) \
        + bp_ref[...]

    out_ref[...] = jax.nn.sigmoid(linear + fm + deep)


def _tc_dense(emb, vals, ling, W1, b1, W2, b2, Wp, bp, lb, tb=512):
    B = emb.shape[0]
    fe = F_DIM * E_DIM
    h1, h2 = W1.shape[1], W2.shape[1]
    grid = (B // tb,)
    full = lambda shape: pl.BlockSpec(shape, lambda i: (0, 0))
    return pl.pallas_call(
        _tc_body,
        grid=grid,
        in_specs=[
            pl.BlockSpec((tb, fe), lambda i: (i, 0)),
            pl.BlockSpec((tb, F_DIM), lambda i: (i, 0)),
            pl.BlockSpec((tb, F_DIM), lambda i: (i, 0)),
            full((fe, h1)),
            full((1, h1)),
            full((h1, h2)),
            full((1, h2)),
            full((h2, 1)),
            full((1, 1)),
            full((1, 1)),
        ],
        out_specs=pl.BlockSpec((tb, 1), lambda i: (i, 0)),
        out_shape=jax.ShapeDtypeStruct((B, 1), jnp.float32),
    )(emb, vals, ling, W1, b1, W2, b2, Wp, bp, lb)


def kernel(feature_idx, feature_vals, feature_embedding, linear_w, linear_b,
           W1, b1, W2, b2, Wp, bp):
    B, F = feature_idx.shape
    n_per_w = B * F // NW
    C = n_per_w // CHUNK
    idx_r = feature_idx.reshape(NW, C, CHUNK)
    emb_g, lin_g = _sc_gather(idx_r, feature_embedding,
                              linear_w.T.reshape(-1))
    emb_flat = emb_g.reshape(B, F * E_DIM)
    lin_flat = lin_g.reshape(B, F)
    return _tc_dense(
        emb_flat, feature_vals, lin_flat,
        W1, b1.reshape(1, -1), W2, b2.reshape(1, -1),
        Wp, bp.reshape(1, 1), linear_b.reshape(1, 1))

# --- scband reference (transcript-rebuilt; emitter-appended) ---
"""Pipeline reference for scband-deep-fm-77558519431762 (READ-ONLY COPY).

The authoritative reference and input builder live on the scoring server;
editing this copy changes nothing except your own understanding.
"""

import jax, jax.numpy as jnp
import numpy as np

FEATURE_DIM = 1000000
EMBED_DIM = 16
FIELD_DIM = 26
BATCH = 4096
HIDDEN = [256, 128]


def setup_inputs(seed: int = 0) -> dict:
    key = jax.random.key(seed)
    ks = jax.random.split(key, 12)
    feature_idx = jax.random.randint(ks[0], (BATCH, FIELD_DIM), 0, FEATURE_DIM, dtype=jnp.int64 if jax.config.read('jax_enable_x64') else jnp.int32).astype(jnp.int32)
    feature_vals = jax.random.uniform(ks[1], (BATCH, FIELD_DIM), dtype=jnp.float32)
    feature_embedding = jax.random.normal(ks[2], (FEATURE_DIM, EMBED_DIM), dtype=jnp.float32) * 0.01
    linear_w = jax.random.normal(ks[3], (FEATURE_DIM, 1), dtype=jnp.float32) * 0.01
    linear_b = jnp.zeros((1,), dtype=jnp.float32)
    d_in = FIELD_DIM * EMBED_DIM
    W1 = jax.random.normal(ks[4], (d_in, HIDDEN[0]), dtype=jnp.float32) * (1.0 / np.sqrt(d_in))
    b1 = jnp.zeros((HIDDEN[0],), dtype=jnp.float32)
    W2 = jax.random.normal(ks[5], (HIDDEN[0], HIDDEN[1]), dtype=jnp.float32) * (1.0 / np.sqrt(HIDDEN[0]))
    b2 = jnp.zeros((HIDDEN[1],), dtype=jnp.float32)
    Wp = jax.random.normal(ks[6], (HIDDEN[1], 1), dtype=jnp.float32) * (1.0 / np.sqrt(HIDDEN[1]))
    bp = jnp.zeros((1,), dtype=jnp.float32)
    return {
        'feature_idx': feature_idx,
        'feature_vals': feature_vals,
        'feature_embedding': feature_embedding,
        'linear_w': linear_w,
        'linear_b': linear_b,
        'W1': W1, 'b1': b1, 'W2': W2, 'b2': b2, 'Wp': Wp, 'bp': bp,
    }


def reference(feature_idx, feature_vals, feature_embedding, linear_w, linear_b, W1, b1, W2, b2, Wp, bp):
    # Linear (first-order) term: sum_f w[idx] * val
    lin_w = jnp.take(linear_w, feature_idx, axis=0)[..., 0]          # [B, F]
    linear_term = jnp.sum(lin_w * feature_vals, axis=1, keepdims=True) + linear_b  # [B, 1]

    # Embedding lookup weighted by feature values
    emb = jnp.take(feature_embedding, feature_idx, axis=0)           # [B, F, D]
    emb = emb * feature_vals[..., None]                              # [B, F, D]

    # FM second-order term: 0.5 * ((sum e)^2 - sum e^2)
    sum_emb = jnp.sum(emb, axis=1)                                    # [B, D]
    sum_sq = sum_emb * sum_emb                                        # [B, D]
    sq_sum = jnp.sum(emb * emb, axis=1)                               # [B, D]
    fm_output = 0.5 * (sum_sq - sq_sum)                               # [B, D]
    fm_term = jnp.sum(fm_output, axis=1, keepdims=True)               # [B, 1]

    # Deep section
    deep_input = emb.reshape(emb.shape[0], FIELD_DIM * EMBED_DIM)     # [B, F*D]
    h = jax.nn.relu(deep_input @ W1 + b1)
    h = jax.nn.relu(h @ W2 + b2)
    deep_term = h @ Wp + bp                                           # [B, 1]

    combine = linear_term + fm_term + deep_term
    predictions = jax.nn.sigmoid(combine)                             # [B, 1]
    return predictions

if __name__ == "__main__":
    import jax
    _d = setup_inputs()
    print(jax.jit(kernel)(*tuple(_d.values())))

</pallas_src>

<mosaic_0001>
#map = affine_map<(d0, d1) -> (0, 0, 0)>
#map1 = affine_map<(d0, d1) -> (0, 0)>
#map2 = affine_map<(d0, d1) -> (0)>
module attributes {stable_mosaic.version = 14 : i64} {
  func.func @sc_kernel(%arg0: i32, %arg1: i32, %arg2: memref<32x26x128xi32, #tpu.memory_space<hbm>>, %arg3: memref<1000000x16xf32, #tpu.memory_space<hbm>>, %arg4: memref<1000000xf32, #tpu.memory_space<hbm>>, %arg5: memref<32x3328x16xf32, #tpu.memory_space<hbm>>, %arg6: memref<32x3328xf32, #tpu.memory_space<hbm>>, %arg7: memref<26x128xi32, #tpu.memory_space<vmem>>, %arg8: memref<3328x16xf32, #tpu.memory_space<vmem>>, %arg9: memref<3328xf32, #tpu.memory_space<vmem>>, %arg10: memref<!tpu.dma_semaphore, #tpu.memory_space<semaphore_mem>>, %arg11: memref<!tpu.dma_semaphore, #tpu.memory_space<semaphore_mem>>) attributes {dimension_semantics = [#tpu.dimension_semantics<core_parallel>, #tpu.dimension_semantics<subcore_parallel>], iteration_bounds = array<i64: 2, 16>, scalar_prefetch = 0 : i64, scratch_operands = 5 : i64, tpu.core_type = #tpu.core_type<sc_vector_subcore>, window_params = [{transform_indices = #map}, {transform_indices = #map1}, {transform_indices = #map2}, {transform_indices = #map}, {transform_indices = #map1}]} {
    %mul3A = arith.constant 2 : i32
    %mul3A_0 = arith.muli %arg1, %mul3A : i32
    %add3A = arith.addi %mul3A_0, %arg0 : i32
    "tpu.region"() ({
      %run_scoped3A = tpu.sem_alloc : memref<!tpu.dma_semaphore, #tpu.memory_space<semaphore_mem>>
      %dma_start3A = arith.constant 0 : i32
      %dma_start3A_14 = arith.constant 0 : i32
      %dma_start3A_15 = tpu.memref_slice %arg2[%add3A, %dma_start3A, %dma_start3A_14] : memref<32x26x128xi32, #tpu.memory_space<hbm>> -> memref<1x26x128xi32, #tpu.memory_space<hbm>>
      %dma_start3A_16 = tpu.memref_squeeze %dma_start3A_15 : memref<1x26x128xi32, #tpu.memory_space<hbm>> -> memref<26x128xi32, #tpu.memory_space<hbm>>
      %dma_start3A_17 = arith.constant 0 : i32
      %dma_start3A_18 = arith.constant 0 : i32
      %dma_start3A_19 = tpu.memref_slice %arg2[%add3A, %dma_start3A_17, %dma_start3A_18] : memref<32x26x128xi32, #tpu.memory_space<hbm>> -> memref<1x26x128xi32, #tpu.memory_space<hbm>>
      %dma_start3A_20 = tpu.memref_squeeze %dma_start3A_19 : memref<1x26x128xi32, #tpu.memory_space<hbm>> -> memref<26x128xi32, #tpu.memory_space<hbm>>
      tpu.enqueue_dma source(%dma_start3A_20 : memref<26x128xi32, #tpu.memory_space<hbm>>) target(%arg7 : memref<26x128xi32, #tpu.memory_space<vmem>>) target_semaphore(%run_scoped3A : memref<!tpu.dma_semaphore, #tpu.memory_space<semaphore_mem>>)
      %dma_wait3A = arith.constant 0 : i32
      %dma_wait3A_21 = arith.constant 0 : i32
      %dma_wait3A_22 = tpu.memref_slice %arg2[%add3A, %dma_wait3A, %dma_wait3A_21] : memref<32x26x128xi32, #tpu.memory_space<hbm>> -> memref<1x26x128xi32, #tpu.memory_space<hbm>>
      %dma_wait3A_23 = tpu.memref_squeeze %dma_wait3A_22 : memref<1x26x128xi32, #tpu.memory_space<hbm>> -> memref<26x128xi32, #tpu.memory_space<hbm>>
      %dma_wait3A_24 = arith.constant 0 : i32
      %dma_wait3A_25 = arith.constant 0 : i32
      %dma_wait3A_26 = tpu.memref_slice %arg2[%add3A, %dma_wait3A_24, %dma_wait3A_25] : memref<32x26x128xi32, #tpu.memory_space<hbm>> -> memref<1x26x128xi32, #tpu.memory_space<hbm>>
      %dma_wait3A_27 = tpu.memref_squeeze %dma_wait3A_26 : memref<1x26x128xi32, #tpu.memory_space<hbm>> -> memref<26x128xi32, #tpu.memory_space<hbm>>
      tpu.wait_dma2 semaphore(%run_scoped3A : memref<!tpu.dma_semaphore, #tpu.memory_space<semaphore_mem>>) src(%dma_wait3A_27 : memref<26x128xi32, #tpu.memory_space<hbm>>) dst(%arg7 : memref<26x128xi32, #tpu.memory_space<vmem>>)
      tpu.yield
    }) : () -> ()
    %scan3A = arith.constant 0 : i32
    %scan3A_1 = arith.constant 0 : i32
    %scan3A_2 = arith.constant 26 : i32
    %scan3A_3 = arith.addi %scan3A_1, %scan3A_2 : i32
    %scan3A_4 = arith.constant 1 : i32
    %scan3A_5 = scf.for %scan3A_14 = %scan3A_1 to %scan3A_3 step %scan3A_4 iter_args(%scan3A_15 = %scan3A) -> (i32)  : i32 {
      %mul3A_16 = arith.constant 128 : i32
      %mul3A_17 = arith.muli %scan3A_14, %mul3A_16 : i32
      %dma_start3A = arith.constant 0 : i32
      %dma_start3A_18 = tpu.memref_slice %arg8[%mul3A_17, %dma_start3A] : memref<3328x16xf32, #tpu.memory_space<vmem>> -> memref<128x16xf32, #tpu.memory_space<vmem>>
      %dma_start3A_19 = arith.constant 0 : i32
      %dma_start3A_20 = tpu.memref_slice %arg7[%scan3A_14, %dma_start3A_19] : memref<26x128xi32, #tpu.memory_space<vmem>> -> memref<1x128xi32, #tpu.memory_space<vmem>>
      %dma_start3A_21 = tpu.memref_squeeze %dma_start3A_20 : memref<1x128xi32, #tpu.memory_space<vmem>> -> memref<128xi32, #tpu.memory_space<vmem>>
      %dma_start3A_22 = arith.constant 0 : i32
      %dma_start3A_23 = arith.constant 0 : i32
      %dma_start3A_24 = tpu.memref_slice %arg3[%dma_start3A_22, %dma_start3A_23] : memref<1000000x16xf32, #tpu.memory_space<hbm>> -> memref<1000000x16xf32, #tpu.memory_space<hbm>>
      tpu.enqueue_indirect_dma source(%dma_start3A_24 : memref<1000000x16xf32, #tpu.memory_space<hbm>>) target(%dma_start3A_18 : memref<128x16xf32, #tpu.memory_space<vmem>>) offsets(%dma_start3A_21 : memref<128xi32, #tpu.memory_space<vmem>>) semaphore(%arg10 : memref<!tpu.dma_semaphore, #tpu.memory_space<semaphore_mem>>)
      %mul3A_25 = arith.constant 128 : i32
      %mul3A_26 = arith.muli %scan3A_14, %mul3A_25 : i32
      %dma_start3A_27 = tpu.memref_slice %arg9[%mul3A_26] : memref<3328xf32, #tpu.memory_space<vmem>> -> memref<128xf32, #tpu.memory_space<vmem>>
      %dma_start3A_28 = arith.constant 0 : i32
      %dma_start3A_29 = tpu.memref_slice %arg7[%scan3A_14, %dma_start3A_28] : memref<26x128xi32, #tpu.memory_space<vmem>> -> memref<1x128xi32, #tpu.memory_space<vmem>>
      %dma_start3A_30 = tpu.memref_squeeze %dma_start3A_29 : memref<1x128xi32, #tpu.memory_space<vmem>> -> memref<128xi32, #tpu.memory_space<vmem>>
      %dma_start3A_31 = arith.constant 0 : i32
      %dma_start3A_32 = tpu.memref_slice %arg4[%dma_start3A_31] : memref<1000000xf32, #tpu.memory_space<hbm>> -> memref<1000000xf32, #tpu.memory_space<hbm>>
      tpu.enqueue_indirect_dma source(%dma_start3A_32 : memref<1000000xf32, #tpu.memory_space<hbm>>) target(%dma_start3A_27 : memref<128xf32, #tpu.memory_space<vmem>>) offsets(%dma_start3A_30 : memref<128xi32, #tpu.memory_space<vmem>>) semaphore(%arg11 : memref<!tpu.dma_semaphore, #tpu.memory_space<semaphore_mem>>)
      %scan3A_33 = arith.constant 0 : i32
      scf.yield %scan3A_33 : i32
    }
    %scan3A_6 = arith.constant 26 : i32
    %scan3A_7 = arith.constant 0 : i32
    %scan3A_8 = arith.constant 0 : i32
    %scan3A_9 = arith.constant 26 : i32
    %scan3A_10 = arith.addi %scan3A_8, %scan3A_9 : i32
    %scan3A_11 = arith.constant 1 : i32
    %scan3A_12 = scf.for %scan3A_14 = %scan3A_8 to %scan3A_10 step %scan3A_11 iter_args(%scan3A_15 = %scan3A_7) -> (i32)  : i32 {
      %mul3A_16 = arith.constant 128 : i32
      %mul3A_17 = arith.muli %scan3A_14, %mul3A_16 : i32
      %dma_wait3A = arith.constant 0 : i32
      %dma_wait3A_18 = tpu.memref_slice %arg8[%mul3A_17, %dma_wait3A] : memref<3328x16xf32, #tpu.memory_space<vmem>> -> memref<128x16xf32, #tpu.memory_space<vmem>>
      %dma_wait3A_19 = arith.constant 0 : i32
      %dma_wait3A_20 = tpu.memref_slice %arg7[%scan3A_14, %dma_wait3A_19] : memref<26x128xi32, #tpu.memory_space<vmem>> -> memref<1x128xi32, #tpu.memory_space<vmem>>
      %dma_wait3A_21 = tpu.memref_squeeze %dma_wait3A_20 : memref<1x128xi32, #tpu.memory_space<vmem>> -> memref<128xi32, #tpu.memory_space<vmem>>
      %dma_wait3A_22 = arith.constant 0 : i32
      %dma_wait3A_23 = arith.constant 0 : i32
      %dma_wait3A_24 = tpu.memref_slice %arg3[%dma_wait3A_22, %dma_wait3A_23] : memref<1000000x16xf32, #tpu.memory_space<hbm>> -> memref<1000000x16xf32, #tpu.memory_space<hbm>>
      tpu.wait_indirect_dma semaphore(%arg10 : memref<!tpu.dma_semaphore, #tpu.memory_space<semaphore_mem>>) src(%dma_wait3A_24 : memref<1000000x16xf32, #tpu.memory_space<hbm>>) dst(%dma_wait3A_18 : memref<128x16xf32, #tpu.memory_space<vmem>>)
      %mul3A_25 = arith.constant 128 : i32
      %mul3A_26 = arith.muli %scan3A_14, %mul3A_25 : i32
      %dma_wait3A_27 = tpu.memref_slice %arg9[%mul3A_26] : memref<3328xf32, #tpu.memory_space<vmem>> -> memref<128xf32, #tpu.memory_space<vmem>>
      %dma_wait3A_28 = arith.constant 0 : i32
      %dma_wait3A_29 = tpu.memref_slice %arg7[%scan3A_14, %dma_wait3A_28] : memref<26x128xi32, #tpu.memory_space<vmem>> -> memref<1x128xi32, #tpu.memory_space<vmem>>
      %dma_wait3A_30 = tpu.memref_squeeze %dma_wait3A_29 : memref<1x128xi32, #tpu.memory_space<vmem>> -> memref<128xi32, #tpu.memory_space<vmem>>
      %dma_wait3A_31 = arith.constant 0 : i32
      %dma_wait3A_32 = tpu.memref_slice %arg4[%dma_wait3A_31] : memref<1000000xf32, #tpu.memory_space<hbm>> -> memref<1000000xf32, #tpu.memory_space<hbm>>
      tpu.wait_indirect_dma semaphore(%arg11 : memref<!tpu.dma_semaphore, #tpu.memory_space<semaphore_mem>>) src(%dma_wait3A_32 : memref<1000000xf32, #tpu.memory_space<hbm>>) dst(%dma_wait3A_27 : memref<128xf32, #tpu.memory_space<vmem>>)
      %scan3A_33 = arith.constant 0 : i32
      scf.yield %scan3A_33 : i32
    }
    %scan3A_13 = arith.constant 26 : i32
    "tpu.region"() ({
      %run_scoped3A = tpu.sem_alloc : memref<!tpu.dma_semaphore, #tpu.memory_space<semaphore_mem>>
      %dma_start3A = arith.constant 0 : i32
      %dma_start3A_14 = arith.constant 0 : i32
      %dma_start3A_15 = tpu.memref_slice %arg5[%add3A, %dma_start3A, %dma_start3A_14] : memref<32x3328x16xf32, #tpu.memory_space<hbm>> -> memref<1x3328x16xf32, #tpu.memory_space<hbm>>
      %dma_start3A_16 = tpu.memref_squeeze %dma_start3A_15 : memref<1x3328x16xf32, #tpu.memory_space<hbm>> -> memref<3328x16xf32, #tpu.memory_space<hbm>>
      %dma_start3A_17 = arith.constant 0 : i32
      %dma_start3A_18 = arith.constant 0 : i32
      %dma_start3A_19 = tpu.memref_slice %arg5[%add3A, %dma_start3A_17, %dma_start3A_18] : memref<32x3328x16xf32, #tpu.memory_space<hbm>> -> memref<1x3328x16xf32, #tpu.memory_space<hbm>>
      %dma_start3A_20 = tpu.memref_squeeze %dma_start3A_19 : memref<1x3328x16xf32, #tpu.memory_space<hbm>> -> memref<3328x16xf32, #tpu.memory_space<hbm>>
      tpu.enqueue_dma source(%arg8 : memref<3328x16xf32, #tpu.memory_space<vmem>>) target(%dma_start3A_20 : memref<3328x16xf32, #tpu.memory_space<hbm>>) target_semaphore(%run_scoped3A : memref<!tpu.dma_semaphore, #tpu.memory_space<semaphore_mem>>)
      %dma_wait3A = arith.constant 0 : i32
      %dma_wait3A_21 = arith.constant 0 : i32
      %dma_wait3A_22 = tpu.memref_slice %arg5[%add3A, %dma_wait3A, %dma_wait3A_21] : memref<32x3328x16xf32, #tpu.memory_space<hbm>> -> memref<1x3328x16xf32, #tpu.memory_space<hbm>>
      %dma_wait3A_23 = tpu.memref_squeeze %dma_wait3A_22 : memref<1x3328x16xf32, #tpu.memory_space<hbm>> -> memref<3328x16xf32, #tpu.memory_space<hbm>>
      %dma_wait3A_24 = arith.constant 0 : i32
      %dma_wait3A_25 = arith.constant 0 : i32
      %dma_wait3A_26 = tpu.memref_slice %arg5[%add3A, %dma_wait3A_24, %dma_wait3A_25] : memref<32x3328x16xf32, #tpu.memory_space<hbm>> -> memref<1x3328x16xf32, #tpu.memory_space<hbm>>
      %dma_wait3A_27 = tpu.memref_squeeze %dma_wait3A_26 : memref<1x3328x16xf32, #tpu.memory_space<hbm>> -> memref<3328x16xf32, #tpu.memory_space<hbm>>
      tpu.wait_dma2 semaphore(%run_scoped3A : memref<!tpu.dma_semaphore, #tpu.memory_space<semaphore_mem>>) src(%arg8 : memref<3328x16xf32, #tpu.memory_space<vmem>>) dst(%dma_wait3A_27 : memref<3328x16xf32, #tpu.memory_space<hbm>>)
      tpu.yield
    }) : () -> ()
    "tpu.region"() ({
      %run_scoped3A = tpu.sem_alloc : memref<!tpu.dma_semaphore, #tpu.memory_space<semaphore_mem>>
      %dma_start3A = arith.constant 0 : i32
      %dma_start3A_14 = tpu.memref_slice %arg6[%add3A, %dma_start3A] : memref<32x3328xf32, #tpu.memory_space<hbm>> -> memref<1x3328xf32, #tpu.memory_space<hbm>>
      %dma_start3A_15 = tpu.memref_squeeze %dma_start3A_14 : memref<1x3328xf32, #tpu.memory_space<hbm>> -> memref<3328xf32, #tpu.memory_space<hbm>>
      %dma_start3A_16 = arith.constant 0 : i32
      %dma_start3A_17 = tpu.memref_slice %arg6[%add3A, %dma_start3A_16] : memref<32x3328xf32, #tpu.memory_space<hbm>> -> memref<1x3328xf32, #tpu.memory_space<hbm>>
      %dma_start3A_18 = tpu.memref_squeeze %dma_start3A_17 : memref<1x3328xf32, #tpu.memory_space<hbm>> -> memref<3328xf32, #tpu.memory_space<hbm>>
      tpu.enqueue_dma source(%arg9 : memref<3328xf32, #tpu.memory_space<vmem>>) target(%dma_start3A_18 : memref<3328xf32, #tpu.memory_space<hbm>>) target_semaphore(%run_scoped3A : memref<!tpu.dma_semaphore, #tpu.memory_space<semaphore_mem>>)
      %dma_wait3A = arith.constant 0 : i32
      %dma_wait3A_19 = tpu.memref_slice %arg6[%add3A, %dma_wait3A] : memref<32x3328xf32, #tpu.memory_space<hbm>> -> memref<1x3328xf32, #tpu.memory_space<hbm>>
      %dma_wait3A_20 = tpu.memref_squeeze %dma_wait3A_19 : memref<1x3328xf32, #tpu.memory_space<hbm>> -> memref<3328xf32, #tpu.memory_space<hbm>>
      %dma_wait3A_21 = arith.constant 0 : i32
      %dma_wait3A_22 = tpu.memref_slice %arg6[%add3A, %dma_wait3A_21] : memref<32x3328xf32, #tpu.memory_space<hbm>> -> memref<1x3328xf32, #tpu.memory_space<hbm>>
      %dma_wait3A_23 = tpu.memref_squeeze %dma_wait3A_22 : memref<1x3328xf32, #tpu.memory_space<hbm>> -> memref<3328xf32, #tpu.memory_space<hbm>>
      tpu.wait_dma2 semaphore(%run_scoped3A : memref<!tpu.dma_semaphore, #tpu.memory_space<semaphore_mem>>) src(%arg9 : memref<3328xf32, #tpu.memory_space<vmem>>) dst(%dma_wait3A_23 : memref<3328xf32, #tpu.memory_space<hbm>>)
      tpu.yield
    }) : () -> ()
    return
  }
}

module attributes {stable_mosaic.version = 14 : i64} {
  func.func @_tc_body(%arg0: i32, %arg1: memref<512x416xf32, #tpu.memory_space<vmem>>, %arg2: memref<512x26xf32, #tpu.memory_space<vmem>>, %arg3: memref<512x26xf32, #tpu.memory_space<vmem>>, %arg4: memref<416x256xf32, #tpu.memory_space<vmem>>, %arg5: memref<1x256xf32, #tpu.memory_space<vmem>>, %arg6: memref<256x128xf32, #tpu.memory_space<vmem>>, %arg7: memref<1x128xf32, #tpu.memory_space<vmem>>, %arg8: memref<128x1xf32, #tpu.memory_space<vmem>>, %arg9: memref<1x1xf32, #tpu.memory_space<vmem>>, %arg10: memref<1x1xf32, #tpu.memory_space<vmem>>, %arg11: memref<512x1xf32, #tpu.memory_space<vmem>>) attributes {dimension_semantics = [#tpu.dimension_semantics<arbitrary>], iteration_bounds = array<i64: 8>, scalar_prefetch = 0 : i64, scratch_operands = 0 : i64, tpu.core_type = #tpu.core_type<tc>, window_params = [{transform_indices = @transform_0, window_bounds = array<i64: 512, 416>}, {transform_indices = @transform_1, window_bounds = array<i64: 512, 26>}, {transform_indices = @transform_2, window_bounds = array<i64: 512, 26>}, {pipeline_mode = #tpu.pipeline_mode<synchronous>, transform_indices = @transform_3, window_bounds = array<i64: 416, 256>}, {pipeline_mode = #tpu.pipeline_mode<synchronous>, transform_indices = @transform_4, window_bounds = array<i64: 1, 256>}, {pipeline_mode = #tpu.pipeline_mode<synchronous>, transform_indices = @transform_5, window_bounds = array<i64: 256, 128>}, {pipeline_mode = #tpu.pipeline_mode<synchronous>, transform_indices = @transform_6, window_bounds = array<i64: 1, 128>}, {pipeline_mode = #tpu.pipeline_mode<synchronous>, transform_indices = @transform_7, window_bounds = array<i64: 128, 1>}, {pipeline_mode = #tpu.pipeline_mode<synchronous>, transform_indices = @transform_8, window_bounds = array<i64: 1, 1>}, {pipeline_mode = #tpu.pipeline_mode<synchronous>, transform_indices = @transform_9, window_bounds = array<i64: 1, 1>}, {transform_indices = @transform_10, window_bounds = array<i64: 512, 1>}]} {
    %get3A = arith.constant 0 : index
    %get3A_0 = arith.constant 0 : index
    %get3A_1 = vector.load %arg1[%get3A, %get3A_0] : memref<512x416xf32, #tpu.memory_space<vmem>>, vector<512x416xf32>
    %get3A_2 = arith.constant 0 : index
    %get3A_3 = arith.constant 0 : index
    %get3A_4 = vector.load %arg2[%get3A_2, %get3A_3] : memref<512x26xf32, #tpu.memory_space<vmem>>, vector<512x26xf32>
    %get3A_5 = arith.constant 0 : index
    %get3A_6 = arith.constant 0 : index
    %get3A_7 = vector.load %arg3[%get3A_5, %get3A_6] : memref<512x26xf32, #tpu.memory_space<vmem>>, vector<512x26xf32>
    %iota3A = tpu.iota {dimensions = array<i32: 1>} : vector<26x416xi32>
    %jit3A = arith.constant 16 : i32
    %div3A = vector.broadcast %jit3A : i32 to vector<26x416xi32>
    %div3A_8 = arith.divsi %iota3A, %div3A : vector<26x416xi32>
    %sign3A = arith.constant 0 : i32
    %sign3A_9 = vector.broadcast %sign3A : i32 to vector<26x416xi32>
    %sign3A_10 = arith.cmpi sgt, %iota3A, %sign3A_9 : vector<26x416xi32>
    %sign3A_11 = arith.extui %sign3A_10 : vector<26x416xi1> to vector<26x416xi32>
    %sign3A_12 = arith.constant 0 : i32
    %sign3A_13 = vector.broadcast %sign3A_12 : i32 to vector<26x416xi32>
    %sign3A_14 = arith.cmpi slt, %iota3A, %sign3A_13 : vector<26x416xi32>
    %sign3A_15 = arith.extui %sign3A_14 : vector<26x416xi1> to vector<26x416xi32>
    %sign3A_16 = arith.subi %sign3A_11, %sign3A_15 : vector<26x416xi32>
    %sign3A_17 = arith.constant 0 : i32
    %sign3A_18 = arith.cmpi sgt, %jit3A, %sign3A_17 : i32
    %sign3A_19 = arith.extui %sign3A_18 : i1 to i32
    %sign3A_20 = arith.constant 0 : i32
    %sign3A_21 = arith.cmpi slt, %jit3A, %sign3A_20 : i32
    %sign3A_22 = arith.extui %sign3A_21 : i1 to i32
    %sign3A_23 = arith.subi %sign3A_19, %sign3A_22 : i32
    %ne3A = vector.broadcast %sign3A_23 : i32 to vector<26x416xi32>
    %ne3A_24 = arith.cmpi ne, %sign3A_16, %ne3A : vector<26x416xi32>
    %rem3A = vector.broadcast %jit3A : i32 to vector<26x416xi32>
    %rem3A_25 = arith.remsi %iota3A, %rem3A : vector<26x416xi32>
    %ne3A_26 = arith.constant 0 : i32
    %ne3A_27 = vector.broadcast %ne3A_26 : i32 to vector<26x416xi32>
    %ne3A_28 = arith.cmpi ne, %rem3A_25, %ne3A_27 : vector<26x416xi32>
    %and3A = arith.andi %ne3A_24, %ne3A_28 : vector<26x416xi1>
    %sub3A = arith.constant 1 : i32
    %sub3A_29 = vector.broadcast %sub3A : i32 to vector<26x416xi32>
    %sub3A_30 = arith.subi %div3A_8, %sub3A_29 : vector<26x416xi32>
    %select_n3A = arith.select %and3A, %sub3A_30, %div3A_8 : vector<26x416xi1>, vector<26x416xi32>
    %iota3A_31 = tpu.iota {dimensions = array<i32: 0>} : vector<26x416xi32>
    %eq3A = arith.cmpi eq, %select_n3A, %iota3A_31 : vector<26x416xi32>
    %convert_element_type3A = arith.extui %eq3A : vector<26x416xi1> to vector<26x416xi32>
    %convert_element_type3A_32 = arith.sitofp %convert_element_type3A : vector<26x416xi32> to vector<26x416xf32>
    %dot_general3A = arith.constant dense<0.000000e+00> : vector<512x416xf32>
    %dot_general3A_33 = tpu.matmul %get3A_4, %convert_element_type3A_32, %dot_general3A {dimension_numbers = #tpu.dot_dimension_numbers<[1], [0], [0], [1], [0, 0, 1, 1], [], []>, transpose_lhs_hint = false} : vector<512x26xf32>, vector<26x416xf32>, vector<512x416xf32> -> vector<512x416xf32>
    %mul3A = arith.mulf %get3A_1, %dot_general3A_33 : vector<512x416xf32>
    %mul3A_34 = arith.mulf %get3A_7, %get3A_4 : vector<512x26xf32>
    %reduce_sum3A = arith.constant dense<0.000000e+00> : vector<512xf32>
    %reduce_sum3A_35 = vector.multi_reduction <add>, %mul3A_34, %reduce_sum3A [1] : vector<512x26xf32> to vector<512xf32>
    %broadcast_in_dim3A = vector.shape_cast %reduce_sum3A_35 : vector<512xf32> to vector<512x1xf32>
    %get3A_36 = arith.constant 0 : index
    %get3A_37 = arith.constant 0 : index
    %get3A_38 = vector.load %arg10[%get3A_36, %get3A_37] : memref<1x1xf32, #tpu.memory_space<vmem>>, vector<1x1xf32>
    %get3A_39 = vector.extract %get3A_38[0, 0] : f32 from vector<1x1xf32>
    %add3A = vector.broadcast %get3A_39 : f32 to vector<512x1xf32>
    %add3A_40 = arith.addf %broadcast_in_dim3A, %add3A : vector<512x1xf32>
    %iota3A_41 = tpu.iota {dimensions = array<i32: 0>} : vector<416x16xi32>
    %iota3A_42 = tpu.iota {dimensions = array<i32: 1>} : vector<416x16xi32>
    %jit3A_43 = arith.constant 16 : i32
    %eq3A_44 = arith.constant 0 : i32
    %eq3A_45 = arith.cmpi eq, %jit3A_43, %eq3A_44 : i32
    %jit3A_46 = arith.constant 1 : i32
    %select_n3A_47 = arith.select %eq3A_45, %jit3A_46, %jit3A_43 : i32
    %rem3A_48 = vector.broadcast %select_n3A_47 : i32 to vector<416x16xi32>
    %rem3A_49 = arith.remsi %iota3A_41, %rem3A_48 : vector<416x16xi32>
    %ne3A_50 = arith.constant 0 : i32
    %ne3A_51 = vector.broadcast %ne3A_50 : i32 to vector<416x16xi32>
    %ne3A_52 = arith.cmpi ne, %rem3A_49, %ne3A_51 : vector<416x16xi32>
    %lt3A = arith.constant 0 : i32
    %lt3A_53 = vector.broadcast %lt3A : i32 to vector<416x16xi32>
    %lt3A_54 = arith.cmpi slt, %rem3A_49, %lt3A_53 : vector<416x16xi32>
    %lt3A_55 = arith.constant 0 : i32
    %lt3A_56 = arith.cmpi slt, %select_n3A_47, %lt3A_55 : i32
    %ne3A_57 = vector.broadcast %lt3A_56 : i1 to vector<416x16xi1>
    %ne3A_58 = vector.broadcast %ne3A_57 : vector<416x16xi1> to vector<416x16xi1>
    %ne3A_59 = arith.xori %lt3A_54, %ne3A_58 : vector<416x16xi1>
    %and3A_60 = arith.andi %ne3A_59, %ne3A_52 : vector<416x16xi1>
    %add3A_61 = vector.broadcast %select_n3A_47 : i32 to vector<416x16xi32>
    %add3A_62 = arith.addi %rem3A_49, %add3A_61 : vector<416x16xi32>
    %select_n3A_63 = arith.select %and3A_60, %add3A_62, %rem3A_49 : vector<416x16xi1>, vector<416x16xi32>
    %eq3A_64 = arith.cmpi eq, %select_n3A_63, %iota3A_42 : vector<416x16xi32>
    %convert_element_type3A_65 = arith.extui %eq3A_64 : vector<416x16xi1> to vector<416x16xi32>
    %convert_element_type3A_66 = arith.sitofp %convert_element_type3A_65 : vector<416x16xi32> to vector<416x16xf32>
    %dot_general3A_67 = arith.constant dense<0.000000e+00> : vector<512x16xf32>
    %dot_general3A_68 = tpu.matmul %mul3A, %convert_element_type3A_66, %dot_general3A_67 {dimension_numbers = #tpu.dot_dimension_numbers<[1], [0], [0], [1], [0, 0, 1, 1], [], []>, transpose_lhs_hint = false} : vector<512x416xf32>, vector<416x16xf32>, vector<512x16xf32> -> vector<512x16xf32>
    %mul3A_69 = arith.mulf %dot_general3A_68, %dot_general3A_68 : vector<512x16xf32>
    %reduce_sum3A_70 = arith.constant dense<0.000000e+00> : vector<512xf32>
    %reduce_sum3A_71 = vector.multi_reduction <add>, %mul3A_69, %reduce_sum3A_70 [1] : vector<512x16xf32> to vector<512xf32>
    %broadcast_in_dim3A_72 = vector.shape_cast %reduce_sum3A_71 : vector<512xf32> to vector<512x1xf32>
    %mul3A_73 = arith.mulf %mul3A, %mul3A : vector<512x416xf32>
    %reduce_sum3A_74 = arith.constant dense<0.000000e+00> : vector<512xf32>
    %reduce_sum3A_75 = vector.multi_reduction <add>, %mul3A_73, %reduce_sum3A_74 [1] : vector<512x416xf32> to vector<512xf32>
    %broadcast_in_dim3A_76 = vector.shape_cast %reduce_sum3A_75 : vector<512xf32> to vector<512x1xf32>
    %sub3A_77 = arith.subf %broadcast_in_dim3A_72, %broadcast_in_dim3A_76 : vector<512x1xf32>
    %mul3A_78 = arith.constant 5.000000e-01 : f32
    %mul3A_79 = vector.broadcast %mul3A_78 : f32 to vector<512x1xf32>
    %mul3A_80 = arith.mulf %mul3A_79, %sub3A_77 : vector<512x1xf32>
    %get3A_81 = arith.constant 0 : index
    %get3A_82 = arith.constant 0 : index
    %get3A_83 = vector.load %arg4[%get3A_81, %get3A_82] : memref<416x256xf32, #tpu.memory_space<vmem>>, vector<416x256xf32>
    %dot_general3A_84 = arith.constant dense<0.000000e+00> : vector<512x256xf32>
    %dot_general3A_85 = tpu.matmul %mul3A, %get3A_83, %dot_general3A_84 {dimension_numbers = #tpu.dot_dimension_numbers<[1], [0], [0], [1], [0, 0, 1, 1], [], []>, transpose_lhs_hint = false} : vector<512x416xf32>, vector<416x256xf32>, vector<512x256xf32> -> vector<512x256xf32>
    %get3A_86 = arith.constant 0 : index
    %get3A_87 = arith.constant 0 : index
    %get3A_88 = vector.load %arg5[%get3A_86, %get3A_87] : memref<1x256xf32, #tpu.memory_space<vmem>>, vector<1x256xf32>
    %add3A_89 = vector.broadcast %get3A_88 : vector<1x256xf32> to vector<512x256xf32>
    %add3A_90 = arith.addf %dot_general3A_85, %add3A_89 : vector<512x256xf32>
    %max3A = arith.constant 0.000000e+00 : f32
    %max3A_91 = vector.broadcast %max3A : f32 to vector<512x256xf32>
    %max3A_92 = arith.maximumf %add3A_90, %max3A_91 : vector<512x256xf32>
    %get3A_93 = arith.constant 0 : index
    %get3A_94 = arith.constant 0 : index
    %get3A_95 = vector.load %arg6[%get3A_93, %get3A_94] : memref<256x128xf32, #tpu.memory_space<vmem>>, vector<256x128xf32>
    %dot_general3A_96 = arith.constant dense<0.000000e+00> : vector<512x128xf32>
    %dot_general3A_97 = tpu.matmul %max3A_92, %get3A_95, %dot_general3A_96 {dimension_numbers = #tpu.dot_dimension_numbers<[1], [0], [0], [1], [0, 0, 1, 1], [], []>, transpose_lhs_hint = false} : vector<512x256xf32>, vector<256x128xf32>, vector<512x128xf32> -> vector<512x128xf32>
    %get3A_98 = arith.constant 0 : index
    %get3A_99 = arith.constant 0 : index
    %get3A_100 = vector.load %arg7[%get3A_98, %get3A_99] : memref<1x128xf32, #tpu.memory_space<vmem>>, vector<1x128xf32>
    %add3A_101 = vector.broadcast %get3A_100 : vector<1x128xf32> to vector<512x128xf32>
    %add3A_102 = arith.addf %dot_general3A_97, %add3A_101 : vector<512x128xf32>
    %max3A_103 = arith.constant 0.000000e+00 : f32
    %max3A_104 = vector.broadcast %max3A_103 : f32 to vector<512x128xf32>
    %max3A_105 = arith.maximumf %add3A_102, %max3A_104 : vector<512x128xf32>
    %get3A_106 = arith.constant 0 : index
    %get3A_107 = arith.constant 0 : index
    %get3A_108 = vector.load %arg8[%get3A_106, %get3A_107] : memref<128x1xf32, #tpu.memory_space<vmem>>, vector<128x1xf32>
    %dot_general3A_109 = arith.constant dense<0.000000e+00> : vector<512x1xf32>
    %dot_general3A_110 = tpu.matmul %max3A_105, %get3A_108, %dot_general3A_109 {dimension_numbers = #tpu.dot_dimension_numbers<[1], [0], [0], [1], [0, 0, 1, 1], [], []>, transpose_lhs_hint = false} : vector<512x128xf32>, vector<128x1xf32>, vector<512x1xf32> -> vector<512x1xf32>
    %get3A_111 = arith.constant 0 : index
    %get3A_112 = arith.constant 0 : index
    %get3A_113 = vector.load %arg9[%get3A_111, %get3A_112] : memref<1x1xf32, #tpu.memory_space<vmem>>, vector<1x1xf32>
    %add3A_114 = vector.broadcast %get3A_113 : vector<1x1xf32> to vector<512x1xf32>
    %add3A_115 = arith.addf %dot_general3A_110, %add3A_114 : vector<512x1xf32>
    %add3A_116 = arith.addf %add3A_40, %mul3A_80 : vector<512x1xf32>
    %add3A_117 = arith.addf %add3A_116, %add3A_115 : vector<512x1xf32>
    %logistic3A = arith.negf %add3A_117 : vector<512x1xf32>
    %logistic3A_118 = math.exp %logistic3A : vector<512x1xf32>
    %logistic3A_119 = arith.constant 1.000000e+00 : f32
    %logistic3A_120 = vector.broadcast %logistic3A_119 : f32 to vector<512x1xf32>
    %logistic3A_121 = arith.addf %logistic3A_120, %logistic3A_118 : vector<512x1xf32>
    %logistic3A_122 = arith.divf %logistic3A_120, %logistic3A_121 : vector<512x1xf32>
    %swap3A = arith.constant 0 : index
    %swap3A_123 = arith.constant 0 : index
    %swap3A_124 = vector.load %arg11[%swap3A, %swap3A_123] : memref<512x1xf32, #tpu.memory_space<vmem>>, vector<512x1xf32>
    tpu.vector_store %arg11[%swap3A, %swap3A_123], %logistic3A_122 {strides = array<i32>} : memref<512x1xf32, #tpu.memory_space<vmem>>, vector<512x1xf32>,
    return
  }
  func.func @transform_0(%arg0: i32) -> (i32, i32) {
    %c0_i32 = arith.constant 0 : i32
    %c0_i32_0 = arith.constant 0 : i32
    return %arg0, %c0_i32 : i32, i32
  }
  func.func @transform_1(%arg0: i32) -> (i32, i32) {
    %c0_i32 = arith.constant 0 : i32
    %c0_i32_0 = arith.constant 0 : i32
    return %arg0, %c0_i32 : i32, i32
  }
  func.func @transform_2(%arg0: i32) -> (i32, i32) {
    %c0_i32 = arith.constant 0 : i32
    %c0_i32_0 = arith.constant 0 : i32
    return %arg0, %c0_i32 : i32, i32
  }
  func.func @transform_3(%arg0: i32) -> (i32, i32) {
    %c0_i32 = arith.constant 0 : i32
    %c0_i32_0 = arith.constant 0 : i32
    %c0_i32_1 = arith.constant 0 : i32
    return %c0_i32, %c0_i32_0 : i32, i32
  }
  func.func @transform_4(%arg0: i32) -> (i32, i32) {
    %c0_i32 = arith.constant 0 : i32
    %c0_i32_0 = arith.constant 0 : i32
    %c0_i32_1 = arith.constant 0 : i32
    return %c0_i32, %c0_i32_0 : i32, i32
  }
  func.func @transform_5(%arg0: i32) -> (i32, i32) {
    %c0_i32 = arith.constant 0 : i32
    %c0_i32_0 = arith.constant 0 : i32
    %c0_i32_1 = arith.constant 0 : i32
    return %c0_i32, %c0_i32_0 : i32, i32
  }
  func.func @transform_6(%arg0: i32) -> (i32, i32) {
    %c0_i32 = arith.constant 0 : i32
    %c0_i32_0 = arith.constant 0 : i32
    %c0_i32_1 = arith.constant 0 : i32
    return %c0_i32, %c0_i32_0 : i32, i32
  }
  func.func @transform_7(%arg0: i32) -> (i32, i32) {
    %c0_i32 = arith.constant 0 : i32
    %c0_i32_0 = arith.constant 0 : i32
    %c0_i32_1 = arith.constant 0 : i32
    return %c0_i32, %c0_i32_0 : i32, i32
  }
  func.func @transform_8(%arg0: i32) -> (i32, i32) {
    %c0_i32 = arith.constant 0 : i32
    %c0_i32_0 = arith.constant 0 : i32
    %c0_i32_1 = arith.constant 0 : i32
    return %c0_i32, %c0_i32_0 : i32, i32
  }
  func.func @transform_9(%arg0: i32) -> (i32, i32) {
    %c0_i32 = arith.constant 0 : i32
    %c0_i32_0 = arith.constant 0 : i32
    %c0_i32_1 = arith.constant 0 : i32
    return %c0_i32, %c0_i32_0 : i32, i32
  }
  func.func @transform_10(%arg0: i32) -> (i32, i32) {
    %c0_i32 = arith.constant 0 : i32
    %c0_i32_0 = arith.constant 0 : i32
    return %arg0, %c0_i32 : i32, i32
  }
}

</mosaic_0001>

<sc_bundles>
// kernel: kernel.4.cloned.1.call-start
scs
__scs_entry_jumppad:
0x0: {  	(pc) =	sbr.rel $0x88, $3  }
0x1: {  	(tag) =	ssettag $0x0;
	lr =	simm.s32 $0x1  }
0x2: {  	[smem:$0x3F96] =	sst lr;
	_ =	strace $0xD0000000  }
0x3: {  	_ = 	snop  }
0x4: {  	_ = 	snop  }
0x5: {  	_ = 	snop  }
0x6: {  	_ = 	snop  }
0x7: {  	_ = 	snop  }
__scs_overlays_trampoline_lowered:
0x8: {  	[smem:$0x3FA5] =	sst s0  }
0x9: {  	[smem:$0x3FA6] =	sst s1  }
0xa: {  	[smem:$0x3FA7] =	sst s2  }
0xb: {  	[smem:$0x3FA8] =	sst s3  }
0xc: {  	[smem:$0x3FA9] =	sst s4  }
0xd: {  	[smem:$0x3FAA] =	sst s5  }
0xe: {  	[smem:$0x3FAB] =	sst s6  }
0xf: {  	[smem:$0x3FAC] =	sst s7  }
0x10: {  	[smem:$0x3FAD] =	sst s8  }
0x11: {  	[smem:$0x3FAE] =	sst s9;
	s0 =	simm.s32 @!p0 $0x0  }
0x12: {  	s1 =	sld [smem:$0x3F94];
	s0 =	simm.s32 @p0 $0x1  }
0x13: {  	[smem:$0x3FAF] =	sst s0;
	s0 =	simm.s32 @!p1 $0x0  }
0x14: {  	s2 =	sld [smem:$0x3F93];
	s0 =	simm.s32 @p1 $0x1  }
0x15: {  	[smem:$0x3FB0] =	sst s0;
	s0 =	simm.s32 @!p2 $0x0  }
0x16: {  	s3 =	sld [smem:$0x3FDB];
	s0 =	simm.s32 @p2 $0x1  }
0x17: {  	s4 =	simm.s32 $0x1BF5;
	[smem:$0x3FB2] =	sst s0  }
0x18: {  	s0 =	sld [smem:$0x3F95];
	_ =	swait.ge [sflag:s4], $0x0  }
0x19: {  	s7 =	sld [smem:$0x3F96]  }
0x1a: {  	s8 =	sadd.s32 $0xFFFFE003, lr  }
0x1b: {  	s9 =	sadd.s32 $0xFFFFFEF7, lr;
	s5 =	simm.s32 $0xFFFFFFFF;
	p2 =	slt.u32 s8, $0xFFFFF086  }
0x1c: {  	p1 =	slt.u32 s9, $0xF7A;
	s5 =	simm.s32 @!p2 $0x0  }
0x1d: {  	s5 =	simm.s32 @p1 $0x1;
	p0 =	seq.s32 s7, s2  }
0x1e: {  	s7 =	smul.u32 @!p0 $0xF7A, s2;
	p2 =	seq.s32 @!p0 s5, $0x0  }
0x1f: {  	s9 =	smul.u32 $0xF7A, s1;
	s8 =	simm.s32 @!p0 $0x1BF5;
	p2 =	por !p2, p0  }
0x20: {  	[sflag:s8] =	ssyncset.s32 @!p0 $0xFFFFF086;
	s6 =	sadd.s32 @!p0 s3, s7;
	s7 =	simm.s32 @!p0 $0x108  }
0x21: {  	s3 =	sadd.s32 s3, s9;
	s6 =	sadd.s32 @!p0 $0x88, s6;
	s7 =	simm.s32 @p2 $0x1082  }
0x22: {  	[simem:s7], [sflag:s8] =	dma.local @!p0 [hbm:s6], $0xF7A  }
0x23: {  	s9 =	sor.u32 $0xD0000000, s2;
	s6 =	simm.s32 $0x108;
	_ =	swait.ge @!p0 [sflag:s8], $0x0  }
0x24: {  	s3 =	sadd.s32 $0x88, s3;
	s6 =	simm.s32 @!p1 $0x1082;
	[sflag:s4] =	ssyncset.s32 $0xFFFFF086  }
0x25: {  	[simem:s6], [sflag:s4] =	dma.local [hbm:s3], $0xF7A  }
0x26: {  	[smem:$0x3F96] =	sst s1;
	(tag) =	ssettag s2;
	_ =	strace s9  }
0x27: {  	s1 =	sld [smem:$0x3FA6]  }
0x28: {  	s2 =	sld [smem:$0x3FA7]  }
0x29: {  	s4 =	sld [smem:$0x3FA9]  }
0x2a: {  	p0 =	seq.s32 s5, $0x0;
	s5 =	sld [smem:$0x3FAA]  }
0x2b: {  	s6 =	sld [smem:$0x3FAB]  }
0x2c: {  	s7 =	sld [smem:$0x3FAC]  }
0x2d: {  	s3 =	simm.s32 $0x108;
	s8 =	sld [smem:$0x3FAD]  }
0x2e: {  	s3 =	simm.s32 @!p0 $0x1082;
	s9 =	sld [smem:$0x3FAE]  }
0x2f: {  	lr =	sadd.s32 s0, s3;
	s0 =	sld [smem:$0x3FA5]  }
0x30: {  	s3 =	sld [smem:$0x3FA8]  }
0x31: {  	[smem:$0x3FB1] =	sst s10  }
0x32: {  	s10 =	sld [smem:$0x3FAF];
	_ =	sdelay $0x3  }
0x33: {  	p0 =	seq.s32 s10, $0x1;
	s10 =	sld [smem:$0x3FB1];
	_ =	sdelay $0x3  }
0x34: {  	[smem:$0x3FB1] =	sst s10  }
0x35: {  	s10 =	sld [smem:$0x3FB0];
	_ =	sdelay $0x3  }
0x36: {  	p1 =	seq.s32 s10, $0x1;
	s10 =	sld [smem:$0x3FB1];
	_ =	sdelay $0x3  }
0x37: {  	[smem:$0x3FB1] =	sst s10  }
0x38: {  	s10 =	sld [smem:$0x3FB2]  }
0x39: {  	_ = 	snop;
	(pc) =	sbr.ind lr, $3  }
0x3a: {  	_ = 	snop  }
0x3b: {  	_ = 	snop  }
0x3c: {  	p2 =	seq.s32 s10, $0x1;
	s10 =	sld [smem:$0x3FB1]  }
0x3d: {  	_ =	shalt  }
0x3e: {  	_ =	shalt  }
0x3f: {  	_ =	shalt  }
0x40: {  	_ =	shalt  }
0x41: {  	_ =	shalt  }
0x42: {  	_ =	shalt  }
0x43: {  	_ =	shalt  }
0x44: {  	_ =	shalt  }
0x45: {  	_ =	shalt  }
0x46: {  	_ =	shalt  }
0x47: {  	_ =	shalt  }
0x48: {  	_ =	shalt  }
0x49: {  	_ =	shalt  }
0x4a: {  	_ =	shalt  }
0x4b: {  	_ =	shalt  }
0x4c: {  	_ =	shalt  }
0x4d: {  	_ =	shalt  }
0x4e: {  	_ =	shalt  }
0x4f: {  	_ =	shalt  }
0x50: {  	_ =	shalt  }
0x51: {  	_ =	shalt  }
0x52: {  	_ =	shalt  }
0x53: {  	_ =	shalt  }
0x54: {  	_ =	shalt  }
0x55: {  	_ =	shalt  }
0x56: {  	_ =	shalt  }
0x57: {  	_ =	shalt  }
0x58: {  	_ =	shalt  }
0x59: {  	_ =	shalt  }
0x5a: {  	_ =	shalt  }
0x5b: {  	_ =	shalt  }
0x5c: {  	_ =	shalt  }
0x5d: {  	_ =	shalt  }
0x5e: {  	_ =	shalt  }
0x5f: {  	_ =	shalt  }
0x60: {  	_ =	shalt  }
0x61: {  	_ =	shalt  }
0x62: {  	_ =	shalt  }
0x63: {  	_ =	shalt  }
0x64: {  	_ =	shalt  }
0x65: {  	_ =	shalt  }
0x66: {  	_ =	shalt  }
0x67: {  	_ =	shalt  }
0x68: {  	_ =	shalt  }
0x69: {  	_ =	shalt  }
0x6a: {  	_ =	shalt  }
0x6b: {  	_ =	shalt  }
0x6c: {  	_ =	shalt  }
0x6d: {  	_ =	shalt  }
0x6e: {  	_ =	shalt  }
0x6f: {  	_ =	shalt  }
0x70: {  	_ =	shalt  }
0x71: {  	_ =	shalt  }
0x72: {  	_ =	shalt  }
0x73: {  	_ =	shalt  }
0x74: {  	_ =	shalt  }
0x75: {  	_ =	shalt  }
0x76: {  	_ =	shalt  }
0x77: {  	_ =	shalt  }
0x78: {  	_ =	shalt  }
0x79: {  	_ =	shalt  }
0x7a: {  	_ =	shalt  }
0x7b: {  	_ =	shalt  }
0x7c: {  	_ =	shalt  }
0x7d: {  	_ =	shalt  }
0x7e: {  	_ =	shalt  }
0x7f: {  	_ =	shalt  }
0x80: {  	_ =	shalt  }
0x81: {  	_ =	shalt  }
0x82: {  	_ =	shalt  }
0x83: {  	_ =	shalt  }
0x84: {  	_ =	shalt  }
0x85: {  	_ =	shalt  }
0x86: {  	_ =	shalt  }
0x87: {  	_ =	shalt  }
.Lfunc_end0:
.L_simem_size_0:
called_computation_lowered:
.L_overlay_start_0:
0x88: {  	s2 =	sld [smem:$0x3FD9]  }
0x89: {  	s3 =	sld [smem:$0x3FFE];
	_ =	sdelay $0x1  }
0x8a: {  	s1 =	srdreg.scid  }
0x8b: {  	s0 =	sand.u32 $0x1, s1  }
0x8c: {  	s16 =	sshll.u32 s0, $0xA;
	s2 =	sadd.s32 s3, s2  }
0x8d: {  	s2 =	sadd.s32 s2, s16  }
0x8e: {  	[smem:$0x3FBD] =	sst s2  }
0x8f: {  	_ = 	snop  }
0x90: {  	(tm) =	ssettm $0x1  }
0x91: {  	s17 =	sld [smem:$0x3FFB];
	_ =	sdelay $0x3  }
0x92: {  	_ =	strace s17  }
0x93: {  	s2 =	sld [smem:$0x3FFC];
	_ =	sdelay $0x3  }
0x94: {  	_ =	strace s2  }
0x95: {  	s2 =	sld [smem:$0x3FFD];
	_ =	sdelay $0x3  }
0x96: {  	_ =	strace s2  }
0x97: {  	_ =	strace $0x8FFFFFFF  }
0x98: {  	s18 =	sld [smem:$0x3FDB];
	_ =	sdelay $0x1  }
0x99: {  	s19 =	simm.s32 $_scs_section_size  }
0x9a: {  	s4 =	simm.s32 $_size__tile_overlayer_lowered;
	s5 =	simm.s32 $_tile_overlayer_lowered  }
0x9b: {  	s22 =	simm.s32 $0x1BFF;
	s21 =	sshll.u32 s5, $0x1;
	s2 =	sadd.s32 s19, s18  }
0x9c: {  	s6 =	simm.s32 $0x0;
	s20 =	sshll.u32 s4, $0x1;
	s4 =	sadd.s32 s21, s2  }
0x9d: {  	[timem:s6], [sflag:s22] =	dma.local [hbm:s4], s20  }
0x9e: {  	_ =	swait.ge [sflag:s22], s20  }
0x9f: {  	s3 =	ssub.s32 $0x0, s20;
	[sflag:s22] =	ssyncset.done $0x0  }
0xa0: {  	[sflag:s22] =	ssyncadd.s32 s3;
	_ =	sdelay $0x1  }
0xa1: {  	s23 =	simm.s32 $0x1B8B  }
0xa2: {  	_ =	swait.ge [sflag:s23], $0x1  }
0xa3: {  	[sflag:s23] =	ssyncset.done $0x0  }
0xa4: {  	s25 =	simm.s32 $0x1B8E;
	s24 =	sld [smem:$0x3FFE];
	[sflag:s23] =	ssyncadd.s32 $0xFFFFFFFF  }
0xa5: {  	s26 =	simm.s32 $execute0_lowered;
	[smem:$0x3FD2] =	sst s25  }
0xa6: {  	s4 =	sshll.u32 s26, $0x1;
	_ =	strace $0x80000046;
	[dreg:$0x1] =	wrdreg $0xFFFFFFFF  }
0xa7: {  	s28 =	simm.s32 $_size_execute0_lowered;
	s2 =	sadd.s32 s2, s4;
	[dreg:$0x0] =	wrdreg $0x0  }
0xa8: {  	s4 =	sshll.u32 s28, $0x1;
	[dreg:$0x2] =	wrdreg s2  }
0xa9: {  	[dreg:$0x3] =	wrdreg s4  }
0xaa: {  	[dreg:$0x4] =	wrdreg $0xC0  }
0xab: {  	_ =	task [dreg:s6], $0x5FFFF  }
0xac: {  	[dreg:$0x1] =	wrdreg $0xFFFFFFFF  }
0xad: {  	[dreg:$0x0] =	wrdreg $0x60  }
0xae: {  	[dreg:$0x2] =	wrdreg s24  }
0xaf: {  	[dreg:$0x3] =	wrdreg $0x9  }
0xb0: {  	_ =	task.clear_ibuf [dreg:s6], $0x4FFFF;
	_ =	strace $0x90000046  }
0xb1: {  	s29 =	simm.s32 $0x9;
	_ =	strace $0x80000048  }
0xb2: {  	_ =	swait.ge [sflag:s29], $0x1  }
0xb3: {  	[sflag:s29] =	ssyncadd.s32 $0xFFFFFFFF  }
0xb4: {  	_ =	strace $0x90000048  }
0xb5: {  	_ =	sfence  }
0xb6: {  	s30 =	sld [smem:$0x0];
	_ =	sdelay $0x2  }
0xb7: {  	s31 =	sshll.u32 s1, $0xD;
	s1 =	sshrl.u32 s1, $0x2  }
0xb8: {  	s3 =	sand.u32 $0x4000, s31;
	s1 =	sadd.s32 s1, s30  }
0xb9: {  	s0 =	sor.u32 s3, s0;
	s1 =	sshll.u32 s1, $0x11  }
0xba: {  	s0 =	sor.u32 s1, s0  }
0xbb: {  	s0 =	sadd.s32 $0x8F2B, s0  }
0xbc: {  	[sflag:s0] =	ssyncadd.remote.s32 $0x1  }
0xbd: {  	_ =	sfence.sel $0xFFFF  }
0xbe: {  	[dreg:$0x0] =	wrdreg $0xFFFFFFFF;
	(pc) =	sbr.abs _section_cstart, $3  }
0xbf: {  	[dreg:$0x1] =	wrdreg $0xFFFFFFFF  }
0xc0: {  	_ =	task.clear_ibuf [dreg:s6], $0x2FFFF;
	_ =	strace $0x9FFFFFFF  }
0xc1: {  	(tm) =	ssettm $0x7FFFFFFF  }
tec
execute0_lowered:
.L_overlay_start_1:
0x0: {  	(tag) =	ssettag $0x1  }
0x1: {  	s1 =	srdreg.scid  }
0x2: {  	s0 =	stileid.u32;
	s5 =	rddreg [dreg:$0x0]  }
0x3: {  	s2 =	simm.s32 $0x0;
	s10 =	simm.s32 $0x80;
	s11 =	simm.s32 $0x1  }
0x4: {  	s12 =	simm.s32 $0x2;
	s6 =	sand.u32 $0x1, s1;
	s3 =	sshll.u32 s0, $0x1  }
0x5: {  	s13 =	simm.s32 $0xD00;
	s14 =	simm.s32 $0xDD00;
	s3 =	sor.u32 s6, s3  }
0x6: {  	s15 =	simm.s32 $0x0;
	s1 =	rddreg [dreg:$0x1];
	s7 =	smul.u32 $0x1A00, s3  }
0x7: {  	[smem:$0x7FF] =	sst s2;
	s4 =	sadd.s32 $0x4A00, s5;
	s8 =	smul.u32 $0x1A0, s3  }
0x8: {  	_ =	strace $0x80000047;
	s6 =	ssub.s32 $0x2, s6;
	s3 =	sadd.s32 $0xF43A00, s5  }
0x9: {  	s31 =	sshrl.u32 s6, $0x1;
	s7 =	sadd.s32 s7, s5;
	s8 =	sadd.s32 s8, s5  }
0xa: {  	s9 =	ssub.s32 s6, s31;
	s5 =	sadd.s32 $0x1600, s8;
	s6 =	sadd.s32 $0x23400, s7  }
0xb: {  	s7 =	sadd.s32 $0x57400, s8;
	s8 =	smax.u32 s9, $0x1;
	s9 =	simm.s32 $0x3  }
.LBB2_1:
0xc: {  	[tilespmem:s2], [sflag:$0x3] =	stream.linear.gather [hbm4b:s5+s2], $0xD00, $0x38;
	[tilespmem:$0xEA00] =	vst v63  }
0xd: {  	_ =	swait.ge [sflag:s9], $0xD00  }
0xe: {  	s18 =	simm.s32 $0x0;
	s16 =	simm.s32 $0x200;
	[sflag:s9] =	ssyncset.done $0x0  }
0xf: {  	s19 =	simm.s32 $0xDD00;
	s17 =	simm.s32 $0x1500;
	[sflag:s9] =	ssyncadd.s32 $0xFFFFF300  }
0x10: {  	[tilespmem:s13], [sflag:$0x1] =	stream.indirect.gather [hbm4b:s3+s10], $0x10, s18, s10, $0xb8;
	[tilespmem:$0xEA00] =	vst v63  }
.LBB2_2:
0x11: {  	[tilespmem:s19], [sflag:$0x2] =	stream.indirect.gather [hbm4b:s4+s10], $0x1, s18, s10, $0xb8;
	[tilespmem:$0xEA00] =	vst v63  }
0x12: {  	s18 =	smov.u32 s16;
	p0 =	sne.s32 s16, $0x3200  }
.Ltmp0:
0x13: {  	s16 =	sadd.s32 $0x200, s16;
	(pc) =	sbr.rel @p0 .LBB2_2-.Ltmp0, $4  }
0x14: {  	_ = 	snop  }
0x15: {  	s18 =	sshra.s32 s18, $0x2  }
0x16: {  	[tilespmem:s17], [sflag:$0x1] =	stream.indirect.gather [hbm4b:s3+s10], $0x10, s18, s10, $0xb8;
	[tilespmem:$0xEA00] =	vst v63  }
0x17: {  	s19 =	sadd.s32 $0xDD00, s18;
	s17 =	sadd.s32 $0x800, s17  }
0x18: {  	[tilespmem:s19], [sflag:$0x2] =	stream.indirect.gather [hbm4b:s4+s10], $0x1, s18, s10, $0xb8;
	[tilespmem:$0xEA00] =	vst v63  }
0x19: {  	_ =	swait.ge [sflag:s11], $0x800  }
0x1a: {  	[sflag:s11] =	ssyncset.done $0x0  }
0x1b: {  	[sflag:s11] =	ssyncadd.s32 $0xFFFFF800  }
0x1c: {  	_ =	swait.ge [sflag:s12], $0x80  }
0x1d: {  	s16 =	simm.s32 $0x19;
	[sflag:s12] =	ssyncset.done $0x0  }
.LBB2_4:
0x1e: {  	p0 =	sne.s32 s16, $0x1;
	s16 =	sadd.s32 $0xFFFFFFFF, s16;
	[sflag:s12] =	ssyncadd.s32 $0xFFFFFF80  }
.Ltmp1:
0x1f: {  	_ =	swait.ge [sflag:s11], $0x800;
	(pc) =	sbr.rel @p0 .LBB2_4-.Ltmp1, $4  }
0x20: {  	[sflag:s11] =	ssyncset.done $0x0  }
0x21: {  	[sflag:s11] =	ssyncadd.s32 $0xFFFFF800  }
0x22: {  	_ =	swait.ge [sflag:s12], $0x80  }
0x23: {  	[sflag:s12] =	ssyncset.done $0x0  }
0x24: {  	[sflag:s12] =	ssyncadd.s32 $0xFFFFFF80  }
0x25: {  	[hbm4b:s6+s2] =	stream.linear.scatter [tilespmem:s13], [sflag:$0x3], $0xD000, $0x38;
	[tilespmem:$0xEA00] =	vst v63  }
0x26: {  	s15 =	sadd.s32 $0x1, s15;
	_ =	swait.ge [sflag:s9], $0xD000  }
0x27: {  	p0 =	sne.s32 s15, s8;
	[sflag:s9] =	ssyncset.done $0x0  }
.Ltmp2:
0x28: {  	[sflag:s9] =	ssyncadd.s32 $0xFFFF3000;
	(pc) =	sbr.rel @p0 .LBB2_1-.Ltmp2, $4  }
0x29: {  	[hbm4b:s7+s2] =	stream.linear.scatter [tilespmem:s14], [sflag:$0x3], $0xD00, $0x38;
	[tilespmem:$0xEA00] =	vst v63  }
0x2a: {  	_ =	swait.ge [sflag:s9], $0xD00  }
0x2b: {  	[sflag:s9] =	ssyncset.done $0x0  }
0x2c: {  	[sflag:s9] =	ssyncadd.s32 $0xFFFFF300  }
0x2d: {  	_ =	sfence.sel $0x180000  }
0x2e: {  	[bflag:$0x0] =	sbarrier.arrive $0xFFFF  }
0x2f: {  	p0 =	sne.s32 s0, $0x0;
	_ =	strace $0x90000047  }
0x30: {  	s0 =	sadd.s32 @!p0 $0x100000, s1;
	[bflag:$0x2] =	sbarrier.arrive $0xFFFF  }
0x31: {  	[sflag:s0] =	ssyncadd.tile.s32 @!p0 $0x1;
	_ =	shalt  }
.Lfunc_end2:
_tile_overlayer_lowered:
.L_overlay_start_2:
0x32: {  	(tag) =	ssettag $0x2  }
0x33: {  	s0 =	rddreg [dreg:$0x0];
	s2 =	stileid.u32  }
0x34: {  	s1 =	rddreg [dreg:$0x1];
	p0 =	sne.s32 s2, $0x0  }
0x35: {  	s3 =	rddreg [dreg:$0x2];
	[bflag:$0x3] =	sbarrier.arrive $0xFFFF;
	s2 =	simm.s32 @!p0 $0x1C03  }
0x36: {  	[timem:s3], [sflag:s2] =	dma.local @!p0 [hbm:s0], s1  }
0x37: {  	s0 =	simm.s32 @!p0 $0x3  }
0x38: {  	_ =	swait.ge @!p0 [sflag:s0], s1  }
0x39: {  	s1 =	ssub.s32 @!p0 $0x0, s1;
	[sflag:s0] =	ssyncset.done @!p0 $0x0  }
0x3a: {  	[sflag:s0] =	ssyncadd.s32 @!p0 s1  }
0x3b: {  	[bflag:$0x3] =	sbarrier.arrive $0xFFFF  }
0x3c: {  	_ =	shalt  }

</sc_bundles>
